<compile_context>
chip_gen: v7x
topology: tpu7x:2x2x1
jax: 0.10.2.dev20260603
libtpu: 0.0.44.dev20260713+nightly
codegen_flags: <defaults>
</compile_context>

<pallas_src>
import functools

import jax
import jax.numpy as jnp
from jax import lax
from jax.experimental import pallas as pl
from jax.experimental.pallas import tpu as pltpu
from jax.experimental.pallas import tpu_sc as plsc


def _make_gather(V, P, C, B):
    info = plsc.get_sparse_core_info()
    NC, NS, L = 1, info.num_subcores, info.num_lanes
    NW = NC * NS
    assert B % NW == 0 and (B // NW) % 8 == 0 and (B // NW) % L == 0
    b_per_w = B // NW
    mesh = plsc.VectorSubcoreMesh(core_axis_name="c", subcore_axis_name="s",
                                  num_cores=1)

    @functools.partial(
        pl.kernel, mesh=mesh,
        out_type=jax.ShapeDtypeStruct((C * B, P), jnp.float32),
        scratch_types=[
            pltpu.VMEM((b_per_w,), jnp.int32),
            pltpu.VMEM((C * b_per_w, P), jnp.float32),
            pltpu.SemaphoreType.DMA,
            pltpu.SemaphoreType.DMA,
        ],
    )
    def gather_kernel(table_hbm, idx_hbm, out_hbm, idx_v, rows_v,
                      gsem, osem):
        wid = lax.axis_index("s") * NC + lax.axis_index("c")
        base = wid * b_per_w
        pltpu.sync_copy(idx_hbm.at[pl.ds(base, b_per_w)], idx_v)
        half = b_per_w // 2
        chunks = [(c, h) for c in range(C) for h in range(2)]
        gathers = [
            pltpu.async_copy(
                table_hbm.at[pl.ds(c * V, V)].at[idx_v.at[pl.ds(h * half, half)]],
                rows_v.at[pl.ds(c * b_per_w + h * half, half)],
                gsem,
            )
            for c, h in chunks
        ]
        outs = []
        for g, (c, h) in zip(gathers, chunks):
            g.wait()
            outs.append(pltpu.async_copy(
                rows_v.at[pl.ds(c * b_per_w + h * half, half)],
                out_hbm.at[pl.ds(c * B + base + h * half, half)],
                osem,
            ))
        for o in outs:
            o.wait()

    return gather_kernel


def kernel(class_number, multi_vector_embedding):
    V, P, C = multi_vector_embedding.shape
    B = class_number.shape[0]
    idx = class_number.astype(jnp.int32)
    table_t = multi_vector_embedding.transpose(2, 0, 1).reshape(C * V, P)
    out = _make_gather(V, P, C, B)(table_t, idx)
    return out.reshape(C, B, P).transpose(1, 2, 0)

# --- scband reference (transcript-rebuilt; emitter-appended) ---
"""Pipeline reference for scband-multi-vector-embedding-81844896792604 (READ-ONLY COPY).

The authoritative reference and input builder live on the scoring server;
editing this copy changes nothing except your own understanding.
"""

import jax, jax.numpy as jnp
import numpy as np

NUM_CLASSES = 100000
NUM_LATENT_POINTS = 128
MIN_BOUND = -1.0
MAX_BOUND = 1.0
BATCH = 4096


def setup_inputs(seed: int = 0) -> dict:
    key = jax.random.key(seed)
    k_idx, k_tab = jax.random.split(key)
    class_number = jax.random.randint(k_idx, (BATCH,), 0, NUM_CLASSES, dtype=jnp.int64 if jax.config.jax_enable_x64 else jnp.int32)
    multi_vector_embedding = jax.random.uniform(
        k_tab, (NUM_CLASSES, NUM_LATENT_POINTS, 3), dtype=jnp.float32,
        minval=MIN_BOUND, maxval=MAX_BOUND)
    return {"class_number": class_number, "multi_vector_embedding": multi_vector_embedding}


def reference(class_number, multi_vector_embedding):
    # Faithful translation of: self.multi_vector_embedding[class_number]
    return jnp.take(multi_vector_embedding, class_number, axis=0)

if __name__ == "__main__":
    import jax
    _d = setup_inputs()
    print(jax.jit(kernel)(*tuple(_d.values())))

</pallas_src>

<mosaic_0001>
#map = affine_map<(d0, d1) -> (0, 0)>
#map1 = affine_map<(d0, d1) -> (0)>
module attributes {stable_mosaic.version = 14 : i64} {
  func.func @gather_kernel(%arg0: i32, %arg1: i32, %arg2: memref<300000x128xf32, #tpu.memory_space<hbm>>, %arg3: memref<4096xi32, #tpu.memory_space<hbm>>, %arg4: memref<12288x128xf32, #tpu.memory_space<hbm>>, %arg5: memref<256xi32, #tpu.memory_space<vmem>>, %arg6: memref<768x128xf32, #tpu.memory_space<vmem>>, %arg7: memref<!tpu.dma_semaphore, #tpu.memory_space<semaphore_mem>>, %arg8: memref<!tpu.dma_semaphore, #tpu.memory_space<semaphore_mem>>) attributes {dimension_semantics = [#tpu.dimension_semantics<core_parallel>, #tpu.dimension_semantics<subcore_parallel>], iteration_bounds = array<i64: 1, 16>, scalar_prefetch = 0 : i64, scratch_operands = 4 : i64, tpu.core_type = #tpu.core_type<sc_vector_subcore>, window_params = [{transform_indices = #map}, {transform_indices = #map1}, {transform_indices = #map}]} {
    %mul3A = arith.constant 1 : i32
    %mul3A_0 = arith.muli %arg1, %mul3A : i32
    %add3A = arith.addi %mul3A_0, %arg0 : i32
    %mul3A_1 = arith.constant 256 : i32
    %mul3A_2 = arith.muli %add3A, %mul3A_1 : i32
    "tpu.region"() ({
      %run_scoped3A = tpu.sem_alloc : memref<!tpu.dma_semaphore, #tpu.memory_space<semaphore_mem>>
      %dma_start3A_277 = tpu.memref_slice %arg3[%mul3A_2] : memref<4096xi32, #tpu.memory_space<hbm>> -> memref<256xi32, #tpu.memory_space<hbm>>
      %dma_start3A_278 = tpu.memref_slice %arg3[%mul3A_2] : memref<4096xi32, #tpu.memory_space<hbm>> -> memref<256xi32, #tpu.memory_space<hbm>>
      tpu.enqueue_dma source(%dma_start3A_278 : memref<256xi32, #tpu.memory_space<hbm>>) target(%arg5 : memref<256xi32, #tpu.memory_space<vmem>>) target_semaphore(%run_scoped3A : memref<!tpu.dma_semaphore, #tpu.memory_space<semaphore_mem>>)
      %dma_wait3A_279 = tpu.memref_slice %arg3[%mul3A_2] : memref<4096xi32, #tpu.memory_space<hbm>> -> memref<256xi32, #tpu.memory_space<hbm>>
      %dma_wait3A_280 = tpu.memref_slice %arg3[%mul3A_2] : memref<4096xi32, #tpu.memory_space<hbm>> -> memref<256xi32, #tpu.memory_space<hbm>>
      tpu.wait_dma2 semaphore(%run_scoped3A : memref<!tpu.dma_semaphore, #tpu.memory_space<semaphore_mem>>) src(%dma_wait3A_280 : memref<256xi32, #tpu.memory_space<hbm>>) dst(%arg5 : memref<256xi32, #tpu.memory_space<vmem>>)
      tpu.yield
    }) : () -> ()
    %dma_start3A = arith.constant 0 : i32
    %dma_start3A_3 = arith.constant 0 : i32
    %dma_start3A_4 = tpu.memref_slice %arg6[%dma_start3A, %dma_start3A_3] : memref<768x128xf32, #tpu.memory_space<vmem>> -> memref<128x128xf32, #tpu.memory_space<vmem>>
    %dma_start3A_5 = arith.constant 0 : i32
    %dma_start3A_6 = tpu.memref_slice %arg5[%dma_start3A_5] : memref<256xi32, #tpu.memory_space<vmem>> -> memref<128xi32, #tpu.memory_space<vmem>>
    %dma_start3A_7 = arith.constant 0 : i32
    %dma_start3A_8 = arith.constant 0 : i32
    %dma_start3A_9 = tpu.memref_slice %arg2[%dma_start3A_7, %dma_start3A_8] : memref<300000x128xf32, #tpu.memory_space<hbm>> -> memref<100000x128xf32, #tpu.memory_space<hbm>>
    %dma_start3A_10 = arith.constant 0 : i32
    %dma_start3A_11 = arith.constant 0 : i32
    %dma_start3A_12 = tpu.memref_slice %dma_start3A_9[%dma_start3A_10, %dma_start3A_11] : memref<100000x128xf32, #tpu.memory_space<hbm>> -> memref<100000x128xf32, #tpu.memory_space<hbm>>
    tpu.enqueue_indirect_dma source(%dma_start3A_12 : memref<100000x128xf32, #tpu.memory_space<hbm>>) target(%dma_start3A_4 : memref<128x128xf32, #tpu.memory_space<vmem>>) offsets(%dma_start3A_6 : memref<128xi32, #tpu.memory_space<vmem>>) semaphore(%arg7 : memref<!tpu.dma_semaphore, #tpu.memory_space<semaphore_mem>>)
    %dma_start3A_13 = arith.constant 128 : i32
    %dma_start3A_14 = arith.constant 0 : i32
    %dma_start3A_15 = tpu.memref_slice %arg6[%dma_start3A_13, %dma_start3A_14] : memref<768x128xf32, #tpu.memory_space<vmem>> -> memref<128x128xf32, #tpu.memory_space<vmem>>
    %dma_start3A_16 = arith.constant 128 : i32
    %dma_start3A_17 = tpu.memref_slice %arg5[%dma_start3A_16] : memref<256xi32, #tpu.memory_space<vmem>> -> memref<128xi32, #tpu.memory_space<vmem>>
    %dma_start3A_18 = arith.constant 0 : i32
    %dma_start3A_19 = arith.constant 0 : i32
    %dma_start3A_20 = tpu.memref_slice %arg2[%dma_start3A_18, %dma_start3A_19] : memref<300000x128xf32, #tpu.memory_space<hbm>> -> memref<100000x128xf32, #tpu.memory_space<hbm>>
    %dma_start3A_21 = arith.constant 0 : i32
    %dma_start3A_22 = arith.constant 0 : i32
    %dma_start3A_23 = tpu.memref_slice %dma_start3A_20[%dma_start3A_21, %dma_start3A_22] : memref<100000x128xf32, #tpu.memory_space<hbm>> -> memref<100000x128xf32, #tpu.memory_space<hbm>>
    tpu.enqueue_indirect_dma source(%dma_start3A_23 : memref<100000x128xf32, #tpu.memory_space<hbm>>) target(%dma_start3A_15 : memref<128x128xf32, #tpu.memory_space<vmem>>) offsets(%dma_start3A_17 : memref<128xi32, #tpu.memory_space<vmem>>) semaphore(%arg7 : memref<!tpu.dma_semaphore, #tpu.memory_space<semaphore_mem>>)
    %dma_start3A_24 = arith.constant 256 : i32
    %dma_start3A_25 = arith.constant 0 : i32
    %dma_start3A_26 = tpu.memref_slice %arg6[%dma_start3A_24, %dma_start3A_25] : memref<768x128xf32, #tpu.memory_space<vmem>> -> memref<128x128xf32, #tpu.memory_space<vmem>>
    %dma_start3A_27 = arith.constant 0 : i32
    %dma_start3A_28 = tpu.memref_slice %arg5[%dma_start3A_27] : memref<256xi32, #tpu.memory_space<vmem>> -> memref<128xi32, #tpu.memory_space<vmem>>
    %dma_start3A_29 = arith.constant 100000 : i32
    %dma_start3A_30 = arith.constant 0 : i32
    %dma_start3A_31 = tpu.memref_slice %arg2[%dma_start3A_29, %dma_start3A_30] : memref<300000x128xf32, #tpu.memory_space<hbm>> -> memref<100000x128xf32, #tpu.memory_space<hbm>>
    %dma_start3A_32 = arith.constant 0 : i32
    %dma_start3A_33 = arith.constant 0 : i32
    %dma_start3A_34 = tpu.memref_slice %dma_start3A_31[%dma_start3A_32, %dma_start3A_33] : memref<100000x128xf32, #tpu.memory_space<hbm>> -> memref<100000x128xf32, #tpu.memory_space<hbm>>
    tpu.enqueue_indirect_dma source(%dma_start3A_34 : memref<100000x128xf32, #tpu.memory_space<hbm>>) target(%dma_start3A_26 : memref<128x128xf32, #tpu.memory_space<vmem>>) offsets(%dma_start3A_28 : memref<128xi32, #tpu.memory_space<vmem>>) semaphore(%arg7 : memref<!tpu.dma_semaphore, #tpu.memory_space<semaphore_mem>>)
    %dma_start3A_35 = arith.constant 384 : i32
    %dma_start3A_36 = arith.constant 0 : i32
    %dma_start3A_37 = tpu.memref_slice %arg6[%dma_start3A_35, %dma_start3A_36] : memref<768x128xf32, #tpu.memory_space<vmem>> -> memref<128x128xf32, #tpu.memory_space<vmem>>
    %dma_start3A_38 = arith.constant 128 : i32
    %dma_start3A_39 = tpu.memref_slice %arg5[%dma_start3A_38] : memref<256xi32, #tpu.memory_space<vmem>> -> memref<128xi32, #tpu.memory_space<vmem>>
    %dma_start3A_40 = arith.constant 100000 : i32
    %dma_start3A_41 = arith.constant 0 : i32
    %dma_start3A_42 = tpu.memref_slice %arg2[%dma_start3A_40, %dma_start3A_41] : memref<300000x128xf32, #tpu.memory_space<hbm>> -> memref<100000x128xf32, #tpu.memory_space<hbm>>
    %dma_start3A_43 = arith.constant 0 : i32
    %dma_start3A_44 = arith.constant 0 : i32
    %dma_start3A_45 = tpu.memref_slice %dma_start3A_42[%dma_start3A_43, %dma_start3A_44] : memref<100000x128xf32, #tpu.memory_space<hbm>> -> memref<100000x128xf32, #tpu.memory_space<hbm>>
    tpu.enqueue_indirect_dma source(%dma_start3A_45 : memref<100000x128xf32, #tpu.memory_space<hbm>>) target(%dma_start3A_37 : memref<128x128xf32, #tpu.memory_space<vmem>>) offsets(%dma_start3A_39 : memref<128xi32, #tpu.memory_space<vmem>>) semaphore(%arg7 : memref<!tpu.dma_semaphore, #tpu.memory_space<semaphore_mem>>)
    %dma_start3A_46 = arith.constant 512 : i32
    %dma_start3A_47 = arith.constant 0 : i32
    %dma_start3A_48 = tpu.memref_slice %arg6[%dma_start3A_46, %dma_start3A_47] : memref<768x128xf32, #tpu.memory_space<vmem>> -> memref<128x128xf32, #tpu.memory_space<vmem>>
    %dma_start3A_49 = arith.constant 0 : i32
    %dma_start3A_50 = tpu.memref_slice %arg5[%dma_start3A_49] : memref<256xi32, #tpu.memory_space<vmem>> -> memref<128xi32, #tpu.memory_space<vmem>>
    %dma_start3A_51 = arith.constant 200000 : i32
    %dma_start3A_52 = arith.constant 0 : i32
    %dma_start3A_53 = tpu.memref_slice %arg2[%dma_start3A_51, %dma_start3A_52] : memref<300000x128xf32, #tpu.memory_space<hbm>> -> memref<100000x128xf32, #tpu.memory_space<hbm>>
    %dma_start3A_54 = arith.constant 0 : i32
    %dma_start3A_55 = arith.constant 0 : i32
    %dma_start3A_56 = tpu.memref_slice %dma_start3A_53[%dma_start3A_54, %dma_start3A_55] : memref<100000x128xf32, #tpu.memory_space<hbm>> -> memref<100000x128xf32, #tpu.memory_space<hbm>>
    tpu.enqueue_indirect_dma source(%dma_start3A_56 : memref<100000x128xf32, #tpu.memory_space<hbm>>) target(%dma_start3A_48 : memref<128x128xf32, #tpu.memory_space<vmem>>) offsets(%dma_start3A_50 : memref<128xi32, #tpu.memory_space<vmem>>) semaphore(%arg7 : memref<!tpu.dma_semaphore, #tpu.memory_space<semaphore_mem>>)
    %dma_start3A_57 = arith.constant 640 : i32
    %dma_start3A_58 = arith.constant 0 : i32
    %dma_start3A_59 = tpu.memref_slice %arg6[%dma_start3A_57, %dma_start3A_58] : memref<768x128xf32, #tpu.memory_space<vmem>> -> memref<128x128xf32, #tpu.memory_space<vmem>>
    %dma_start3A_60 = arith.constant 128 : i32
    %dma_start3A_61 = tpu.memref_slice %arg5[%dma_start3A_60] : memref<256xi32, #tpu.memory_space<vmem>> -> memref<128xi32, #tpu.memory_space<vmem>>
    %dma_start3A_62 = arith.constant 200000 : i32
    %dma_start3A_63 = arith.constant 0 : i32
    %dma_start3A_64 = tpu.memref_slice %arg2[%dma_start3A_62, %dma_start3A_63] : memref<300000x128xf32, #tpu.memory_space<hbm>> -> memref<100000x128xf32, #tpu.memory_space<hbm>>
    %dma_start3A_65 = arith.constant 0 : i32
    %dma_start3A_66 = arith.constant 0 : i32
    %dma_start3A_67 = tpu.memref_slice %dma_start3A_64[%dma_start3A_65, %dma_start3A_66] : memref<100000x128xf32, #tpu.memory_space<hbm>> -> memref<100000x128xf32, #tpu.memory_space<hbm>>
    tpu.enqueue_indirect_dma source(%dma_start3A_67 : memref<100000x128xf32, #tpu.memory_space<hbm>>) target(%dma_start3A_59 : memref<128x128xf32, #tpu.memory_space<vmem>>) offsets(%dma_start3A_61 : memref<128xi32, #tpu.memory_space<vmem>>) semaphore(%arg7 : memref<!tpu.dma_semaphore, #tpu.memory_space<semaphore_mem>>)
    %dma_wait3A = arith.constant 0 : i32
    %dma_wait3A_68 = arith.constant 0 : i32
    %dma_wait3A_69 = tpu.memref_slice %arg6[%dma_wait3A, %dma_wait3A_68] : memref<768x128xf32, #tpu.memory_space<vmem>> -> memref<128x128xf32, #tpu.memory_space<vmem>>
    %dma_wait3A_70 = arith.constant 0 : i32
    %dma_wait3A_71 = tpu.memref_slice %arg5[%dma_wait3A_70] : memref<256xi32, #tpu.memory_space<vmem>> -> memref<128xi32, #tpu.memory_space<vmem>>
    %dma_wait3A_72 = arith.constant 0 : i32
    %dma_wait3A_73 = arith.constant 0 : i32
    %dma_wait3A_74 = tpu.memref_slice %arg2[%dma_wait3A_72, %dma_wait3A_73] : memref<300000x128xf32, #tpu.memory_space<hbm>> -> memref<100000x128xf32, #tpu.memory_space<hbm>>
    %dma_wait3A_75 = arith.constant 0 : i32
    %dma_wait3A_76 = arith.constant 0 : i32
    %dma_wait3A_77 = tpu.memref_slice %dma_wait3A_74[%dma_wait3A_75, %dma_wait3A_76] : memref<100000x128xf32, #tpu.memory_space<hbm>> -> memref<100000x128xf32, #tpu.memory_space<hbm>>
    tpu.wait_indirect_dma semaphore(%arg7 : memref<!tpu.dma_semaphore, #tpu.memory_space<semaphore_mem>>) src(%dma_wait3A_77 : memref<100000x128xf32, #tpu.memory_space<hbm>>) dst(%dma_wait3A_69 : memref<128x128xf32, #tpu.memory_space<vmem>>)
    %add3A_78 = arith.constant 0 : i32
    %add3A_79 = arith.addi %add3A_78, %mul3A_2 : i32
    %add3A_80 = arith.constant 0 : i32
    %add3A_81 = arith.addi %add3A_79, %add3A_80 : i32
    %dma_start3A_82 = arith.constant 0 : i32
    %dma_start3A_83 = arith.constant 0 : i32
    %dma_start3A_84 = tpu.memref_slice %arg6[%dma_start3A_82, %dma_start3A_83] : memref<768x128xf32, #tpu.memory_space<vmem>> -> memref<128x128xf32, #tpu.memory_space<vmem>>
    %dma_start3A_85 = arith.constant 0 : i32
    %dma_start3A_86 = tpu.memref_slice %arg4[%add3A_81, %dma_start3A_85] : memref<12288x128xf32, #tpu.memory_space<hbm>> -> memref<128x128xf32, #tpu.memory_space<hbm>>
    %dma_start3A_87 = arith.constant 0 : i32
    %dma_start3A_88 = tpu.memref_slice %arg4[%add3A_81, %dma_start3A_87] : memref<12288x128xf32, #tpu.memory_space<hbm>> -> memref<128x128xf32, #tpu.memory_space<hbm>>
    %dma_start3A_89 = arith.constant 0 : i32
    %dma_start3A_90 = arith.constant 0 : i32
    %dma_start3A_91 = tpu.memref_slice %arg6[%dma_start3A_89, %dma_start3A_90] : memref<768x128xf32, #tpu.memory_space<vmem>> -> memref<128x128xf32, #tpu.memory_space<vmem>>
    tpu.enqueue_dma source(%dma_start3A_91 : memref<128x128xf32, #tpu.memory_space<vmem>>) target(%dma_start3A_88 : memref<128x128xf32, #tpu.memory_space<hbm>>) target_semaphore(%arg8 : memref<!tpu.dma_semaphore, #tpu.memory_space<semaphore_mem>>)
    %dma_wait3A_92 = arith.constant 128 : i32
    %dma_wait3A_93 = arith.constant 0 : i32
    %dma_wait3A_94 = tpu.memref_slice %arg6[%dma_wait3A_92, %dma_wait3A_93] : memref<768x128xf32, #tpu.memory_space<vmem>> -> memref<128x128xf32, #tpu.memory_space<vmem>>
    %dma_wait3A_95 = arith.constant 128 : i32
    %dma_wait3A_96 = tpu.memref_slice %arg5[%dma_wait3A_95] : memref<256xi32, #tpu.memory_space<vmem>> -> memref<128xi32, #tpu.memory_space<vmem>>
    %dma_wait3A_97 = arith.constant 0 : i32
    %dma_wait3A_98 = arith.constant 0 : i32
    %dma_wait3A_99 = tpu.memref_slice %arg2[%dma_wait3A_97, %dma_wait3A_98] : memref<300000x128xf32, #tpu.memory_space<hbm>> -> memref<100000x128xf32, #tpu.memory_space<hbm>>
    %dma_wait3A_100 = arith.constant 0 : i32
    %dma_wait3A_101 = arith.constant 0 : i32
    %dma_wait3A_102 = tpu.memref_slice %dma_wait3A_99[%dma_wait3A_100, %dma_wait3A_101] : memref<100000x128xf32, #tpu.memory_space<hbm>> -> memref<100000x128xf32, #tpu.memory_space<hbm>>
    tpu.wait_indirect_dma semaphore(%arg7 : memref<!tpu.dma_semaphore, #tpu.memory_space<semaphore_mem>>) src(%dma_wait3A_102 : memref<100000x128xf32, #tpu.memory_space<hbm>>) dst(%dma_wait3A_94 : memref<128x128xf32, #tpu.memory_space<vmem>>)
    %add3A_103 = arith.constant 0 : i32
    %add3A_104 = arith.addi %add3A_103, %mul3A_2 : i32
    %add3A_105 = arith.constant 128 : i32
    %add3A_106 = arith.addi %add3A_104, %add3A_105 : i32
    %dma_start3A_107 = arith.constant 128 : i32
    %dma_start3A_108 = arith.constant 0 : i32
    %dma_start3A_109 = tpu.memref_slice %arg6[%dma_start3A_107, %dma_start3A_108] : memref<768x128xf32, #tpu.memory_space<vmem>> -> memref<128x128xf32, #tpu.memory_space<vmem>>
    %dma_start3A_110 = arith.constant 0 : i32
    %dma_start3A_111 = tpu.memref_slice %arg4[%add3A_106, %dma_start3A_110] : memref<12288x128xf32, #tpu.memory_space<hbm>> -> memref<128x128xf32, #tpu.memory_space<hbm>>
    %dma_start3A_112 = arith.constant 0 : i32
    %dma_start3A_113 = tpu.memref_slice %arg4[%add3A_106, %dma_start3A_112] : memref<12288x128xf32, #tpu.memory_space<hbm>> -> memref<128x128xf32, #tpu.memory_space<hbm>>
    %dma_start3A_114 = arith.constant 128 : i32
    %dma_start3A_115 = arith.constant 0 : i32
    %dma_start3A_116 = tpu.memref_slice %arg6[%dma_start3A_114, %dma_start3A_115] : memref<768x128xf32, #tpu.memory_space<vmem>> -> memref<128x128xf32, #tpu.memory_space<vmem>>
    tpu.enqueue_dma source(%dma_start3A_116 : memref<128x128xf32, #tpu.memory_space<vmem>>) target(%dma_start3A_113 : memref<128x128xf32, #tpu.memory_space<hbm>>) target_semaphore(%arg8 : memref<!tpu.dma_semaphore, #tpu.memory_space<semaphore_mem>>)
    %dma_wait3A_117 = arith.constant 256 : i32
    %dma_wait3A_118 = arith.constant 0 : i32
    %dma_wait3A_119 = tpu.memref_slice %arg6[%dma_wait3A_117, %dma_wait3A_118] : memref<768x128xf32, #tpu.memory_space<vmem>> -> memref<128x128xf32, #tpu.memory_space<vmem>>
    %dma_wait3A_120 = arith.constant 0 : i32
    %dma_wait3A_121 = tpu.memref_slice %arg5[%dma_wait3A_120] : memref<256xi32, #tpu.memory_space<vmem>> -> memref<128xi32, #tpu.memory_space<vmem>>
    %dma_wait3A_122 = arith.constant 100000 : i32
    %dma_wait3A_123 = arith.constant 0 : i32
    %dma_wait3A_124 = tpu.memref_slice %arg2[%dma_wait3A_122, %dma_wait3A_123] : memref<300000x128xf32, #tpu.memory_space<hbm>> -> memref<100000x128xf32, #tpu.memory_space<hbm>>
    %dma_wait3A_125 = arith.constant 0 : i32
    %dma_wait3A_126 = arith.constant 0 : i32
    %dma_wait3A_127 = tpu.memref_slice %dma_wait3A_124[%dma_wait3A_125, %dma_wait3A_126] : memref<100000x128xf32, #tpu.memory_space<hbm>> -> memref<100000x128xf32, #tpu.memory_space<hbm>>
    tpu.wait_indirect_dma semaphore(%arg7 : memref<!tpu.dma_semaphore, #tpu.memory_space<semaphore_mem>>) src(%dma_wait3A_127 : memref<100000x128xf32, #tpu.memory_space<hbm>>) dst(%dma_wait3A_119 : memref<128x128xf32, #tpu.memory_space<vmem>>)
    %add3A_128 = arith.constant 4096 : i32
    %add3A_129 = arith.addi %add3A_128, %mul3A_2 : i32
    %add3A_130 = arith.constant 0 : i32
    %add3A_131 = arith.addi %add3A_129, %add3A_130 : i32
    %dma_start3A_132 = arith.constant 256 : i32
    %dma_start3A_133 = arith.constant 0 : i32
    %dma_start3A_134 = tpu.memref_slice %arg6[%dma_start3A_132, %dma_start3A_133] : memref<768x128xf32, #tpu.memory_space<vmem>> -> memref<128x128xf32, #tpu.memory_space<vmem>>
    %dma_start3A_135 = arith.constant 0 : i32
    %dma_start3A_136 = tpu.memref_slice %arg4[%add3A_131, %dma_start3A_135] : memref<12288x128xf32, #tpu.memory_space<hbm>> -> memref<128x128xf32, #tpu.memory_space<hbm>>
    %dma_start3A_137 = arith.constant 0 : i32
    %dma_start3A_138 = tpu.memref_slice %arg4[%add3A_131, %dma_start3A_137] : memref<12288x128xf32, #tpu.memory_space<hbm>> -> memref<128x128xf32, #tpu.memory_space<hbm>>
    %dma_start3A_139 = arith.constant 256 : i32
    %dma_start3A_140 = arith.constant 0 : i32
    %dma_start3A_141 = tpu.memref_slice %arg6[%dma_start3A_139, %dma_start3A_140] : memref<768x128xf32, #tpu.memory_space<vmem>> -> memref<128x128xf32, #tpu.memory_space<vmem>>
    tpu.enqueue_dma source(%dma_start3A_141 : memref<128x128xf32, #tpu.memory_space<vmem>>) target(%dma_start3A_138 : memref<128x128xf32, #tpu.memory_space<hbm>>) target_semaphore(%arg8 : memref<!tpu.dma_semaphore, #tpu.memory_space<semaphore_mem>>)
    %dma_wait3A_142 = arith.constant 384 : i32
    %dma_wait3A_143 = arith.constant 0 : i32
    %dma_wait3A_144 = tpu.memref_slice %arg6[%dma_wait3A_142, %dma_wait3A_143] : memref<768x128xf32, #tpu.memory_space<vmem>> -> memref<128x128xf32, #tpu.memory_space<vmem>>
    %dma_wait3A_145 = arith.constant 128 : i32
    %dma_wait3A_146 = tpu.memref_slice %arg5[%dma_wait3A_145] : memref<256xi32, #tpu.memory_space<vmem>> -> memref<128xi32, #tpu.memory_space<vmem>>
    %dma_wait3A_147 = arith.constant 100000 : i32
    %dma_wait3A_148 = arith.constant 0 : i32
    %dma_wait3A_149 = tpu.memref_slice %arg2[%dma_wait3A_147, %dma_wait3A_148] : memref<300000x128xf32, #tpu.memory_space<hbm>> -> memref<100000x128xf32, #tpu.memory_space<hbm>>
    %dma_wait3A_150 = arith.constant 0 : i32
    %dma_wait3A_151 = arith.constant 0 : i32
    %dma_wait3A_152 = tpu.memref_slice %dma_wait3A_149[%dma_wait3A_150, %dma_wait3A_151] : memref<100000x128xf32, #tpu.memory_space<hbm>> -> memref<100000x128xf32, #tpu.memory_space<hbm>>
    tpu.wait_indirect_dma semaphore(%arg7 : memref<!tpu.dma_semaphore, #tpu.memory_space<semaphore_mem>>) src(%dma_wait3A_152 : memref<100000x128xf32, #tpu.memory_space<hbm>>) dst(%dma_wait3A_144 : memref<128x128xf32, #tpu.memory_space<vmem>>)
    %add3A_153 = arith.constant 4096 : i32
    %add3A_154 = arith.addi %add3A_153, %mul3A_2 : i32
    %add3A_155 = arith.constant 128 : i32
    %add3A_156 = arith.addi %add3A_154, %add3A_155 : i32
    %dma_start3A_157 = arith.constant 384 : i32
    %dma_start3A_158 = arith.constant 0 : i32
    %dma_start3A_159 = tpu.memref_slice %arg6[%dma_start3A_157, %dma_start3A_158] : memref<768x128xf32, #tpu.memory_space<vmem>> -> memref<128x128xf32, #tpu.memory_space<vmem>>
    %dma_start3A_160 = arith.constant 0 : i32
    %dma_start3A_161 = tpu.memref_slice %arg4[%add3A_156, %dma_start3A_160] : memref<12288x128xf32, #tpu.memory_space<hbm>> -> memref<128x128xf32, #tpu.memory_space<hbm>>
    %dma_start3A_162 = arith.constant 0 : i32
    %dma_start3A_163 = tpu.memref_slice %arg4[%add3A_156, %dma_start3A_162] : memref<12288x128xf32, #tpu.memory_space<hbm>> -> memref<128x128xf32, #tpu.memory_space<hbm>>
    %dma_start3A_164 = arith.constant 384 : i32
    %dma_start3A_165 = arith.constant 0 : i32
    %dma_start3A_166 = tpu.memref_slice %arg6[%dma_start3A_164, %dma_start3A_165] : memref<768x128xf32, #tpu.memory_space<vmem>> -> memref<128x128xf32, #tpu.memory_space<vmem>>
    tpu.enqueue_dma source(%dma_start3A_166 : memref<128x128xf32, #tpu.memory_space<vmem>>) target(%dma_start3A_163 : memref<128x128xf32, #tpu.memory_space<hbm>>) target_semaphore(%arg8 : memref<!tpu.dma_semaphore, #tpu.memory_space<semaphore_mem>>)
    %dma_wait3A_167 = arith.constant 512 : i32
    %dma_wait3A_168 = arith.constant 0 : i32
    %dma_wait3A_169 = tpu.memref_slice %arg6[%dma_wait3A_167, %dma_wait3A_168] : memref<768x128xf32, #tpu.memory_space<vmem>> -> memref<128x128xf32, #tpu.memory_space<vmem>>
    %dma_wait3A_170 = arith.constant 0 : i32
    %dma_wait3A_171 = tpu.memref_slice %arg5[%dma_wait3A_170] : memref<256xi32, #tpu.memory_space<vmem>> -> memref<128xi32, #tpu.memory_space<vmem>>
    %dma_wait3A_172 = arith.constant 200000 : i32
    %dma_wait3A_173 = arith.constant 0 : i32
    %dma_wait3A_174 = tpu.memref_slice %arg2[%dma_wait3A_172, %dma_wait3A_173] : memref<300000x128xf32, #tpu.memory_space<hbm>> -> memref<100000x128xf32, #tpu.memory_space<hbm>>
    %dma_wait3A_175 = arith.constant 0 : i32
    %dma_wait3A_176 = arith.constant 0 : i32
    %dma_wait3A_177 = tpu.memref_slice %dma_wait3A_174[%dma_wait3A_175, %dma_wait3A_176] : memref<100000x128xf32, #tpu.memory_space<hbm>> -> memref<100000x128xf32, #tpu.memory_space<hbm>>
    tpu.wait_indirect_dma semaphore(%arg7 : memref<!tpu.dma_semaphore, #tpu.memory_space<semaphore_mem>>) src(%dma_wait3A_177 : memref<100000x128xf32, #tpu.memory_space<hbm>>) dst(%dma_wait3A_169 : memref<128x128xf32, #tpu.memory_space<vmem>>)
    %add3A_178 = arith.constant 8192 : i32
    %add3A_179 = arith.addi %add3A_178, %mul3A_2 : i32
    %add3A_180 = arith.constant 0 : i32
    %add3A_181 = arith.addi %add3A_179, %add3A_180 : i32
    %dma_start3A_182 = arith.constant 512 : i32
    %dma_start3A_183 = arith.constant 0 : i32
    %dma_start3A_184 = tpu.memref_slice %arg6[%dma_start3A_182, %dma_start3A_183] : memref<768x128xf32, #tpu.memory_space<vmem>> -> memref<128x128xf32, #tpu.memory_space<vmem>>
    %dma_start3A_185 = arith.constant 0 : i32
    %dma_start3A_186 = tpu.memref_slice %arg4[%add3A_181, %dma_start3A_185] : memref<12288x128xf32, #tpu.memory_space<hbm>> -> memref<128x128xf32, #tpu.memory_space<hbm>>
    %dma_start3A_187 = arith.constant 0 : i32
    %dma_start3A_188 = tpu.memref_slice %arg4[%add3A_181, %dma_start3A_187] : memref<12288x128xf32, #tpu.memory_space<hbm>> -> memref<128x128xf32, #tpu.memory_space<hbm>>
    %dma_start3A_189 = arith.constant 512 : i32
    %dma_start3A_190 = arith.constant 0 : i32
    %dma_start3A_191 = tpu.memref_slice %arg6[%dma_start3A_189, %dma_start3A_190] : memref<768x128xf32, #tpu.memory_space<vmem>> -> memref<128x128xf32, #tpu.memory_space<vmem>>
    tpu.enqueue_dma source(%dma_start3A_191 : memref<128x128xf32, #tpu.memory_space<vmem>>) target(%dma_start3A_188 : memref<128x128xf32, #tpu.memory_space<hbm>>) target_semaphore(%arg8 : memref<!tpu.dma_semaphore, #tpu.memory_space<semaphore_mem>>)
    %dma_wait3A_192 = arith.constant 640 : i32
    %dma_wait3A_193 = arith.constant 0 : i32
    %dma_wait3A_194 = tpu.memref_slice %arg6[%dma_wait3A_192, %dma_wait3A_193] : memref<768x128xf32, #tpu.memory_space<vmem>> -> memref<128x128xf32, #tpu.memory_space<vmem>>
    %dma_wait3A_195 = arith.constant 128 : i32
    %dma_wait3A_196 = tpu.memref_slice %arg5[%dma_wait3A_195] : memref<256xi32, #tpu.memory_space<vmem>> -> memref<128xi32, #tpu.memory_space<vmem>>
    %dma_wait3A_197 = arith.constant 200000 : i32
    %dma_wait3A_198 = arith.constant 0 : i32
    %dma_wait3A_199 = tpu.memref_slice %arg2[%dma_wait3A_197, %dma_wait3A_198] : memref<300000x128xf32, #tpu.memory_space<hbm>> -> memref<100000x128xf32, #tpu.memory_space<hbm>>
    %dma_wait3A_200 = arith.constant 0 : i32
    %dma_wait3A_201 = arith.constant 0 : i32
    %dma_wait3A_202 = tpu.memref_slice %dma_wait3A_199[%dma_wait3A_200, %dma_wait3A_201] : memref<100000x128xf32, #tpu.memory_space<hbm>> -> memref<100000x128xf32, #tpu.memory_space<hbm>>
    tpu.wait_indirect_dma semaphore(%arg7 : memref<!tpu.dma_semaphore, #tpu.memory_space<semaphore_mem>>) src(%dma_wait3A_202 : memref<100000x128xf32, #tpu.memory_space<hbm>>) dst(%dma_wait3A_194 : memref<128x128xf32, #tpu.memory_space<vmem>>)
    %add3A_203 = arith.constant 8192 : i32
    %add3A_204 = arith.addi %add3A_203, %mul3A_2 : i32
    %add3A_205 = arith.constant 128 : i32
    %add3A_206 = arith.addi %add3A_204, %add3A_205 : i32
    %dma_start3A_207 = arith.constant 640 : i32
    %dma_start3A_208 = arith.constant 0 : i32
    %dma_start3A_209 = tpu.memref_slice %arg6[%dma_start3A_207, %dma_start3A_208] : memref<768x128xf32, #tpu.memory_space<vmem>> -> memref<128x128xf32, #tpu.memory_space<vmem>>
    %dma_start3A_210 = arith.constant 0 : i32
    %dma_start3A_211 = tpu.memref_slice %arg4[%add3A_206, %dma_start3A_210] : memref<12288x128xf32, #tpu.memory_space<hbm>> -> memref<128x128xf32, #tpu.memory_space<hbm>>
    %dma_start3A_212 = arith.constant 0 : i32
    %dma_start3A_213 = tpu.memref_slice %arg4[%add3A_206, %dma_start3A_212] : memref<12288x128xf32, #tpu.memory_space<hbm>> -> memref<128x128xf32, #tpu.memory_space<hbm>>
    %dma_start3A_214 = arith.constant 640 : i32
    %dma_start3A_215 = arith.constant 0 : i32
    %dma_start3A_216 = tpu.memref_slice %arg6[%dma_start3A_214, %dma_start3A_215] : memref<768x128xf32, #tpu.memory_space<vmem>> -> memref<128x128xf32, #tpu.memory_space<vmem>>
    tpu.enqueue_dma source(%dma_start3A_216 : memref<128x128xf32, #tpu.memory_space<vmem>>) target(%dma_start3A_213 : memref<128x128xf32, #tpu.memory_space<hbm>>) target_semaphore(%arg8 : memref<!tpu.dma_semaphore, #tpu.memory_space<semaphore_mem>>)
    %dma_wait3A_217 = arith.constant 0 : i32
    %dma_wait3A_218 = arith.constant 0 : i32
    %dma_wait3A_219 = tpu.memref_slice %arg6[%dma_wait3A_217, %dma_wait3A_218] : memref<768x128xf32, #tpu.memory_space<vmem>> -> memref<128x128xf32, #tpu.memory_space<vmem>>
    %dma_wait3A_220 = arith.constant 0 : i32
    %dma_wait3A_221 = tpu.memref_slice %arg4[%add3A_81, %dma_wait3A_220] : memref<12288x128xf32, #tpu.memory_space<hbm>> -> memref<128x128xf32, #tpu.memory_space<hbm>>
    %dma_wait3A_222 = arith.constant 0 : i32
    %dma_wait3A_223 = tpu.memref_slice %arg4[%add3A_81, %dma_wait3A_222] : memref<12288x128xf32, #tpu.memory_space<hbm>> -> memref<128x128xf32, #tpu.memory_space<hbm>>
    %dma_wait3A_224 = arith.constant 0 : i32
    %dma_wait3A_225 = arith.constant 0 : i32
    %dma_wait3A_226 = tpu.memref_slice %arg6[%dma_wait3A_224, %dma_wait3A_225] : memref<768x128xf32, #tpu.memory_space<vmem>> -> memref<128x128xf32, #tpu.memory_space<vmem>>
    tpu.wait_dma2 semaphore(%arg8 : memref<!tpu.dma_semaphore, #tpu.memory_space<semaphore_mem>>) src(%dma_wait3A_226 : memref<128x128xf32, #tpu.memory_space<vmem>>) dst(%dma_wait3A_223 : memref<128x128xf32, #tpu.memory_space<hbm>>)
    %dma_wait3A_227 = arith.constant 128 : i32
    %dma_wait3A_228 = arith.constant 0 : i32
    %dma_wait3A_229 = tpu.memref_slice %arg6[%dma_wait3A_227, %dma_wait3A_228] : memref<768x128xf32, #tpu.memory_space<vmem>> -> memref<128x128xf32, #tpu.memory_space<vmem>>
    %dma_wait3A_230 = arith.constant 0 : i32
    %dma_wait3A_231 = tpu.memref_slice %arg4[%add3A_106, %dma_wait3A_230] : memref<12288x128xf32, #tpu.memory_space<hbm>> -> memref<128x128xf32, #tpu.memory_space<hbm>>
    %dma_wait3A_232 = arith.constant 0 : i32
    %dma_wait3A_233 = tpu.memref_slice %arg4[%add3A_106, %dma_wait3A_232] : memref<12288x128xf32, #tpu.memory_space<hbm>> -> memref<128x128xf32, #tpu.memory_space<hbm>>
    %dma_wait3A_234 = arith.constant 128 : i32
    %dma_wait3A_235 = arith.constant 0 : i32
    %dma_wait3A_236 = tpu.memref_slice %arg6[%dma_wait3A_234, %dma_wait3A_235] : memref<768x128xf32, #tpu.memory_space<vmem>> -> memref<128x128xf32, #tpu.memory_space<vmem>>
    tpu.wait_dma2 semaphore(%arg8 : memref<!tpu.dma_semaphore, #tpu.memory_space<semaphore_mem>>) src(%dma_wait3A_236 : memref<128x128xf32, #tpu.memory_space<vmem>>) dst(%dma_wait3A_233 : memref<128x128xf32, #tpu.memory_space<hbm>>)
    %dma_wait3A_237 = arith.constant 256 : i32
    %dma_wait3A_238 = arith.constant 0 : i32
    %dma_wait3A_239 = tpu.memref_slice %arg6[%dma_wait3A_237, %dma_wait3A_238] : memref<768x128xf32, #tpu.memory_space<vmem>> -> memref<128x128xf32, #tpu.memory_space<vmem>>
    %dma_wait3A_240 = arith.constant 0 : i32
    %dma_wait3A_241 = tpu.memref_slice %arg4[%add3A_131, %dma_wait3A_240] : memref<12288x128xf32, #tpu.memory_space<hbm>> -> memref<128x128xf32, #tpu.memory_space<hbm>>
    %dma_wait3A_242 = arith.constant 0 : i32
    %dma_wait3A_243 = tpu.memref_slice %arg4[%add3A_131, %dma_wait3A_242] : memref<12288x128xf32, #tpu.memory_space<hbm>> -> memref<128x128xf32, #tpu.memory_space<hbm>>
    %dma_wait3A_244 = arith.constant 256 : i32
    %dma_wait3A_245 = arith.constant 0 : i32
    %dma_wait3A_246 = tpu.memref_slice %arg6[%dma_wait3A_244, %dma_wait3A_245] : memref<768x128xf32, #tpu.memory_space<vmem>> -> memref<128x128xf32, #tpu.memory_space<vmem>>
    tpu.wait_dma2 semaphore(%arg8 : memref<!tpu.dma_semaphore, #tpu.memory_space<semaphore_mem>>) src(%dma_wait3A_246 : memref<128x128xf32, #tpu.memory_space<vmem>>) dst(%dma_wait3A_243 : memref<128x128xf32, #tpu.memory_space<hbm>>)
    %dma_wait3A_247 = arith.constant 384 : i32
    %dma_wait3A_248 = arith.constant 0 : i32
    %dma_wait3A_249 = tpu.memref_slice %arg6[%dma_wait3A_247, %dma_wait3A_248] : memref<768x128xf32, #tpu.memory_space<vmem>> -> memref<128x128xf32, #tpu.memory_space<vmem>>
    %dma_wait3A_250 = arith.constant 0 : i32
    %dma_wait3A_251 = tpu.memref_slice %arg4[%add3A_156, %dma_wait3A_250] : memref<12288x128xf32, #tpu.memory_space<hbm>> -> memref<128x128xf32, #tpu.memory_space<hbm>>
    %dma_wait3A_252 = arith.constant 0 : i32
    %dma_wait3A_253 = tpu.memref_slice %arg4[%add3A_156, %dma_wait3A_252] : memref<12288x128xf32, #tpu.memory_space<hbm>> -> memref<128x128xf32, #tpu.memory_space<hbm>>
    %dma_wait3A_254 = arith.constant 384 : i32
    %dma_wait3A_255 = arith.constant 0 : i32
    %dma_wait3A_256 = tpu.memref_slice %arg6[%dma_wait3A_254, %dma_wait3A_255] : memref<768x128xf32, #tpu.memory_space<vmem>> -> memref<128x128xf32, #tpu.memory_space<vmem>>
    tpu.wait_dma2 semaphore(%arg8 : memref<!tpu.dma_semaphore, #tpu.memory_space<semaphore_mem>>) src(%dma_wait3A_256 : memref<128x128xf32, #tpu.memory_space<vmem>>) dst(%dma_wait3A_253 : memref<128x128xf32, #tpu.memory_space<hbm>>)
    %dma_wait3A_257 = arith.constant 512 : i32
    %dma_wait3A_258 = arith.constant 0 : i32
    %dma_wait3A_259 = tpu.memref_slice %arg6[%dma_wait3A_257, %dma_wait3A_258] : memref<768x128xf32, #tpu.memory_space<vmem>> -> memref<128x128xf32, #tpu.memory_space<vmem>>
    %dma_wait3A_260 = arith.constant 0 : i32
    %dma_wait3A_261 = tpu.memref_slice %arg4[%add3A_181, %dma_wait3A_260] : memref<12288x128xf32, #tpu.memory_space<hbm>> -> memref<128x128xf32, #tpu.memory_space<hbm>>
    %dma_wait3A_262 = arith.constant 0 : i32
    %dma_wait3A_263 = tpu.memref_slice %arg4[%add3A_181, %dma_wait3A_262] : memref<12288x128xf32, #tpu.memory_space<hbm>> -> memref<128x128xf32, #tpu.memory_space<hbm>>
    %dma_wait3A_264 = arith.constant 512 : i32
    %dma_wait3A_265 = arith.constant 0 : i32
    %dma_wait3A_266 = tpu.memref_slice %arg6[%dma_wait3A_264, %dma_wait3A_265] : memref<768x128xf32, #tpu.memory_space<vmem>> -> memref<128x128xf32, #tpu.memory_space<vmem>>
    tpu.wait_dma2 semaphore(%arg8 : memref<!tpu.dma_semaphore, #tpu.memory_space<semaphore_mem>>) src(%dma_wait3A_266 : memref<128x128xf32, #tpu.memory_space<vmem>>) dst(%dma_wait3A_263 : memref<128x128xf32, #tpu.memory_space<hbm>>)
    %dma_wait3A_267 = arith.constant 640 : i32
    %dma_wait3A_268 = arith.constant 0 : i32
    %dma_wait3A_269 = tpu.memref_slice %arg6[%dma_wait3A_267, %dma_wait3A_268] : memref<768x128xf32, #tpu.memory_space<vmem>> -> memref<128x128xf32, #tpu.memory_space<vmem>>
    %dma_wait3A_270 = arith.constant 0 : i32
    %dma_wait3A_271 = tpu.memref_slice %arg4[%add3A_206, %dma_wait3A_270] : memref<12288x128xf32, #tpu.memory_space<hbm>> -> memref<128x128xf32, #tpu.memory_space<hbm>>
    %dma_wait3A_272 = arith.constant 0 : i32
    %dma_wait3A_273 = tpu.memref_slice %arg4[%add3A_206, %dma_wait3A_272] : memref<12288x128xf32, #tpu.memory_space<hbm>> -> memref<128x128xf32, #tpu.memory_space<hbm>>
    %dma_wait3A_274 = arith.constant 640 : i32
    %dma_wait3A_275 = arith.constant 0 : i32
    %dma_wait3A_276 = tpu.memref_slice %arg6[%dma_wait3A_274, %dma_wait3A_275] : memref<768x128xf32, #tpu.memory_space<vmem>> -> memref<128x128xf32, #tpu.memory_space<vmem>>
    tpu.wait_dma2 semaphore(%arg8 : memref<!tpu.dma_semaphore, #tpu.memory_space<semaphore_mem>>) src(%dma_wait3A_276 : memref<128x128xf32, #tpu.memory_space<vmem>>) dst(%dma_wait3A_273 : memref<128x128xf32, #tpu.memory_space<hbm>>)
    return
  }
}

</mosaic_0001>

<sc_bundles>
// kernel: kernel.3.cloned.1.call-start
scs
__scs_entry_jumppad:
0x0: {  	(pc) =	sbr.rel $0x88, $3  }
0x1: {  	(tag) =	ssettag $0x0;
	lr =	simm.s32 $0x1  }
0x2: {  	[smem:$0x3F9F] =	sst lr;
	_ =	strace $0xD0000000  }
0x3: {  	_ = 	snop  }
0x4: {  	_ = 	snop  }
0x5: {  	_ = 	snop  }
0x6: {  	_ = 	snop  }
0x7: {  	_ = 	snop  }
__scs_overlays_trampoline_lowered:
0x8: {  	[smem:$0x3FAE] =	sst s0  }
0x9: {  	[smem:$0x3FAF] =	sst s1  }
0xa: {  	[smem:$0x3FB0] =	sst s2  }
0xb: {  	[smem:$0x3FB1] =	sst s3  }
0xc: {  	[smem:$0x3FB2] =	sst s4  }
0xd: {  	[smem:$0x3FB3] =	sst s5  }
0xe: {  	[smem:$0x3FB4] =	sst s6  }
0xf: {  	[smem:$0x3FB5] =	sst s7  }
0x10: {  	[smem:$0x3FB6] =	sst s8  }
0x11: {  	[smem:$0x3FB7] =	sst s9;
	s0 =	simm.s32 @!p0 $0x0  }
0x12: {  	s1 =	sld [smem:$0x3F9D];
	s0 =	simm.s32 @p0 $0x1  }
0x13: {  	[smem:$0x3FB8] =	sst s0;
	s0 =	simm.s32 @!p1 $0x0  }
0x14: {  	s2 =	sld [smem:$0x3F9C];
	s0 =	simm.s32 @p1 $0x1  }
0x15: {  	[smem:$0x3FB9] =	sst s0;
	s0 =	simm.s32 @!p2 $0x0  }
0x16: {  	s3 =	sld [smem:$0x3FDB];
	s0 =	simm.s32 @p2 $0x1  }
0x17: {  	s4 =	simm.s32 $0x1BF5;
	[smem:$0x3FBB] =	sst s0  }
0x18: {  	s0 =	sld [smem:$0x3F9E];
	_ =	swait.ge [sflag:s4], $0x0  }
0x19: {  	s7 =	sld [smem:$0x3F9F]  }
0x1a: {  	s8 =	sadd.s32 $0xFFFFE003, lr  }
0x1b: {  	s9 =	sadd.s32 $0xFFFFFEF7, lr;
	s5 =	simm.s32 $0xFFFFFFFF;
	p2 =	slt.u32 s8, $0xFFFFF086  }
0x1c: {  	p1 =	slt.u32 s9, $0xF7A;
	s5 =	simm.s32 @!p2 $0x0  }
0x1d: {  	s5 =	simm.s32 @p1 $0x1;
	p0 =	seq.s32 s7, s2  }
0x1e: {  	s7 =	smul.u32 @!p0 $0xF7A, s2;
	p2 =	seq.s32 @!p0 s5, $0x0  }
0x1f: {  	s9 =	smul.u32 $0xF7A, s1;
	s8 =	simm.s32 @!p0 $0x1BF5;
	p2 =	por !p2, p0  }
0x20: {  	[sflag:s8] =	ssyncset.s32 @!p0 $0xFFFFF086;
	s6 =	sadd.s32 @!p0 s3, s7;
	s7 =	simm.s32 @!p0 $0x108  }
0x21: {  	s3 =	sadd.s32 s3, s9;
	s6 =	sadd.s32 @!p0 $0x88, s6;
	s7 =	simm.s32 @p2 $0x1082  }
0x22: {  	[simem:s7], [sflag:s8] =	dma.local @!p0 [hbm:s6], $0xF7A  }
0x23: {  	s9 =	sor.u32 $0xD0000000, s2;
	s6 =	simm.s32 $0x108;
	_ =	swait.ge @!p0 [sflag:s8], $0x0  }
0x24: {  	s3 =	sadd.s32 $0x88, s3;
	s6 =	simm.s32 @!p1 $0x1082;
	[sflag:s4] =	ssyncset.s32 $0xFFFFF086  }
0x25: {  	[simem:s6], [sflag:s4] =	dma.local [hbm:s3], $0xF7A  }
0x26: {  	[smem:$0x3F9F] =	sst s1;
	(tag) =	ssettag s2;
	_ =	strace s9  }
0x27: {  	s1 =	sld [smem:$0x3FAF]  }
0x28: {  	s2 =	sld [smem:$0x3FB0]  }
0x29: {  	s4 =	sld [smem:$0x3FB2]  }
0x2a: {  	p0 =	seq.s32 s5, $0x0;
	s5 =	sld [smem:$0x3FB3]  }
0x2b: {  	s6 =	sld [smem:$0x3FB4]  }
0x2c: {  	s7 =	sld [smem:$0x3FB5]  }
0x2d: {  	s3 =	simm.s32 $0x108;
	s8 =	sld [smem:$0x3FB6]  }
0x2e: {  	s3 =	simm.s32 @!p0 $0x1082;
	s9 =	sld [smem:$0x3FB7]  }
0x2f: {  	lr =	sadd.s32 s0, s3;
	s0 =	sld [smem:$0x3FAE]  }
0x30: {  	s3 =	sld [smem:$0x3FB1]  }
0x31: {  	[smem:$0x3FBA] =	sst s10  }
0x32: {  	s10 =	sld [smem:$0x3FB8];
	_ =	sdelay $0x3  }
0x33: {  	p0 =	seq.s32 s10, $0x1;
	s10 =	sld [smem:$0x3FBA];
	_ =	sdelay $0x3  }
0x34: {  	[smem:$0x3FBA] =	sst s10  }
0x35: {  	s10 =	sld [smem:$0x3FB9];
	_ =	sdelay $0x3  }
0x36: {  	p1 =	seq.s32 s10, $0x1;
	s10 =	sld [smem:$0x3FBA];
	_ =	sdelay $0x3  }
0x37: {  	[smem:$0x3FBA] =	sst s10  }
0x38: {  	s10 =	sld [smem:$0x3FBB]  }
0x39: {  	_ = 	snop;
	(pc) =	sbr.ind lr, $3  }
0x3a: {  	_ = 	snop  }
0x3b: {  	_ = 	snop  }
0x3c: {  	p2 =	seq.s32 s10, $0x1;
	s10 =	sld [smem:$0x3FBA]  }
0x3d: {  	_ =	shalt  }
0x3e: {  	_ =	shalt  }
0x3f: {  	_ =	shalt  }
0x40: {  	_ =	shalt  }
0x41: {  	_ =	shalt  }
0x42: {  	_ =	shalt  }
0x43: {  	_ =	shalt  }
0x44: {  	_ =	shalt  }
0x45: {  	_ =	shalt  }
0x46: {  	_ =	shalt  }
0x47: {  	_ =	shalt  }
0x48: {  	_ =	shalt  }
0x49: {  	_ =	shalt  }
0x4a: {  	_ =	shalt  }
0x4b: {  	_ =	shalt  }
0x4c: {  	_ =	shalt  }
0x4d: {  	_ =	shalt  }
0x4e: {  	_ =	shalt  }
0x4f: {  	_ =	shalt  }
0x50: {  	_ =	shalt  }
0x51: {  	_ =	shalt  }
0x52: {  	_ =	shalt  }
0x53: {  	_ =	shalt  }
0x54: {  	_ =	shalt  }
0x55: {  	_ =	shalt  }
0x56: {  	_ =	shalt  }
0x57: {  	_ =	shalt  }
0x58: {  	_ =	shalt  }
0x59: {  	_ =	shalt  }
0x5a: {  	_ =	shalt  }
0x5b: {  	_ =	shalt  }
0x5c: {  	_ =	shalt  }
0x5d: {  	_ =	shalt  }
0x5e: {  	_ =	shalt  }
0x5f: {  	_ =	shalt  }
0x60: {  	_ =	shalt  }
0x61: {  	_ =	shalt  }
0x62: {  	_ =	shalt  }
0x63: {  	_ =	shalt  }
0x64: {  	_ =	shalt  }
0x65: {  	_ =	shalt  }
0x66: {  	_ =	shalt  }
0x67: {  	_ =	shalt  }
0x68: {  	_ =	shalt  }
0x69: {  	_ =	shalt  }
0x6a: {  	_ =	shalt  }
0x6b: {  	_ =	shalt  }
0x6c: {  	_ =	shalt  }
0x6d: {  	_ =	shalt  }
0x6e: {  	_ =	shalt  }
0x6f: {  	_ =	shalt  }
0x70: {  	_ =	shalt  }
0x71: {  	_ =	shalt  }
0x72: {  	_ =	shalt  }
0x73: {  	_ =	shalt  }
0x74: {  	_ =	shalt  }
0x75: {  	_ =	shalt  }
0x76: {  	_ =	shalt  }
0x77: {  	_ =	shalt  }
0x78: {  	_ =	shalt  }
0x79: {  	_ =	shalt  }
0x7a: {  	_ =	shalt  }
0x7b: {  	_ =	shalt  }
0x7c: {  	_ =	shalt  }
0x7d: {  	_ =	shalt  }
0x7e: {  	_ =	shalt  }
0x7f: {  	_ =	shalt  }
0x80: {  	_ =	shalt  }
0x81: {  	_ =	shalt  }
0x82: {  	_ =	shalt  }
0x83: {  	_ =	shalt  }
0x84: {  	_ =	shalt  }
0x85: {  	_ =	shalt  }
0x86: {  	_ =	shalt  }
0x87: {  	_ =	shalt  }
.Lfunc_end0:
.L_simem_size_0:
called_computation_lowered:
.L_overlay_start_0:
0x88: {  	s0 =	sld [smem:$0x3FD9]  }
0x89: {  	s1 =	sld [smem:$0x3FFE];
	_ =	sdelay $0x3  }
0x8a: {  	s0 =	sadd.s32 s1, s0  }
0x8b: {  	[smem:$0x3FC6] =	sst s0  }
0x8c: {  	_ = 	snop  }
0x8d: {  	s0 =	sld [smem:$0x3FC9]  }
0x8e: {  	s17 =	sld [smem:$0x3FC8]  }
0x8f: {  	s2 =	sld [smem:$0x3FD0];
	(tm) =	ssettm $0x1  }
0x90: {  	s3 =	sld [smem:$0x3FFB];
	_ =	sdelay $0x3  }
0x91: {  	_ =	strace s3  }
0x92: {  	s3 =	sld [smem:$0x3FFC];
	_ =	sdelay $0x3  }
0x93: {  	_ =	strace s3  }
0x94: {  	s3 =	sld [smem:$0x3FFD];
	_ =	sdelay $0x3  }
0x95: {  	_ =	strace s3  }
0x96: {  	_ =	strace $0x8FFFFFFF  }
0x97: {  	s18 =	sld [smem:$0x3FDB];
	_ =	sdelay $0x1  }
0x98: {  	s4 =	simm.s32 $_scs_section_size  }
0x99: {  	s5 =	simm.s32 $_size__tile_overlayer_lowered;
	s6 =	simm.s32 $_tile_overlayer_lowered  }
0x9a: {  	s21 =	simm.s32 $0x1BFF;
	s20 =	sshll.u32 s6, $0x1;
	s3 =	sadd.s32 s4, s18  }
0x9b: {  	s7 =	simm.s32 $0x0;
	s19 =	sshll.u32 s5, $0x1;
	s5 =	sadd.s32 s20, s3  }
0x9c: {  	[timem:s7], [sflag:s21] =	dma.local [hbm:s5], s19  }
0x9d: {  	_ =	swait.ge [sflag:s21], s19  }
0x9e: {  	s4 =	ssub.s32 $0x0, s19;
	[sflag:s21] =	ssyncset.done $0x0  }
0x9f: {  	[sflag:s21] =	ssyncadd.s32 s4;
	_ =	sdelay $0x1  }
0xa0: {  	s22 =	simm.s32 $0x1B8B  }
0xa1: {  	_ =	swait.ge [sflag:s22], $0x1  }
0xa2: {  	[sflag:s22] =	ssyncset.done $0x0  }
0xa3: {  	s23 =	simm.s32 $0x1B8E;
	[sflag:s22] =	ssyncadd.s32 $0xFFFFFFFF  }
0xa4: {  	s24 =	simm.s32 $execute0_lowered;
	[smem:$0x3FD2] =	sst s23  }
0xa5: {  	s4 =	sshll.u32 s24, $0x1;
	_ =	strace $0x80000046;
	[dreg:$0x1] =	wrdreg $0xFFFFFFFF  }
0xa6: {  	s25 =	simm.s32 $_size_execute0_lowered;
	s3 =	sadd.s32 s3, s4;
	[dreg:$0x0] =	wrdreg $0x0  }
0xa7: {  	s4 =	sshll.u32 s25, $0x1;
	[dreg:$0x2] =	wrdreg s3  }
0xa8: {  	[dreg:$0x3] =	wrdreg s4  }
0xa9: {  	[dreg:$0x4] =	wrdreg $0xC0  }
0xaa: {  	_ =	task [dreg:s7], $0x5FFFF  }
0xab: {  	[dreg:$0x1] =	wrdreg $0xFFFFFFFF  }
0xac: {  	[dreg:$0x0] =	wrdreg $0x60  }
0xad: {  	[dreg:$0x2] =	wrdreg s17  }
0xae: {  	[dreg:$0x3] =	wrdreg s0  }
0xaf: {  	[dreg:$0x4] =	wrdreg s2  }
0xb0: {  	[dreg:$0x5] =	wrdreg $0x9  }
0xb1: {  	_ =	task.clear_ibuf [dreg:s7], $0x6FFFF;
	_ =	strace $0x90000046  }
0xb2: {  	s26 =	simm.s32 $0x9;
	_ =	strace $0x80000048  }
0xb3: {  	_ =	swait.ge [sflag:s26], $0x1  }
0xb4: {  	[sflag:s26] =	ssyncadd.s32 $0xFFFFFFFF  }
0xb5: {  	_ =	strace $0x90000048  }
0xb6: {  	_ =	sfence  }
0xb7: {  	s28 =	sld [smem:$0x0];
	_ =	sdelay $0x1  }
0xb8: {  	s29 =	srdreg.scid  }
0xb9: {  	s30 =	sshll.u32 s29, $0xD;
	s31 =	sshrl.u32 s29, $0x2  }
0xba: {  	s1 =	sand.u32 $0x1, s29;
	s2 =	sand.u32 $0x4000, s30;
	s0 =	sadd.s32 s31, s28  }
0xbb: {  	s1 =	sor.u32 s2, s1;
	s0 =	sshll.u32 s0, $0x11  }
0xbc: {  	s0 =	sor.u32 s0, s1  }
0xbd: {  	s0 =	sadd.s32 $0x8F2B, s0  }
0xbe: {  	[sflag:s0] =	ssyncadd.remote.s32 $0x1  }
0xbf: {  	_ =	sfence.sel $0xFFFF  }
0xc0: {  	[dreg:$0x0] =	wrdreg $0xFFFFFFFF;
	(pc) =	sbr.abs _section_cstart, $3  }
0xc1: {  	[dreg:$0x1] =	wrdreg $0xFFFFFFFF  }
0xc2: {  	_ =	task.clear_ibuf [dreg:s7], $0x2FFFF;
	_ =	strace $0x9FFFFFFF  }
0xc3: {  	(tm) =	ssettm $0x7FFFFFFF  }
tec
execute0_lowered:
.L_overlay_start_1:
0x0: {  	(tag) =	ssettag $0x1  }
0x1: {  	s2 =	rddreg [dreg:$0x0]  }
0x2: {  	s3 =	rddreg [dreg:$0x1]  }
0x3: {  	s4 =	rddreg [dreg:$0x2]  }
0x4: {  	s0 =	rddreg [dreg:$0x3];
	s5 =	simm.s32 $0x0;
	s1 =	stileid.u32  }
0x5: {  	[smem:$0x7FF] =	sst s5;
	s6 =	sshll.u32 s1, $0x5  }
0x6: {  	s21 =	simm.s32 $0x3;
	_ =	strace $0x80000047;
	s3 =	sadd.s32 s3, s6  }
0x7: {  	[tilespmem:s5], [sflag:$0x3] =	stream.linear.gather [hbm4b:s3+s5], $0x100, $0x38;
	[tilespmem:$0x18100] =	vst v63  }
0x8: {  	_ =	swait.ge [sflag:s21], $0x100  }
0x9: {  	[sflag:s21] =	ssyncset.done $0x0  }
0xa: {  	s22 =	simm.s32 $0x80;
	s23 =	simm.s32 $0x100;
	[sflag:s21] =	ssyncadd.s32 $0xFFFFFF00  }
0xb: {  	[tilespmem:s23], [sflag:$0x1] =	stream.indirect.gather [hbm4b:s2+s22], $0x80, s5, s22, $0xb8;
	[tilespmem:$0x18100] =	vst v63  }
0xc: {  	s7 =	simm.s32 $0x4100  }
0xd: {  	[tilespmem:s7], [sflag:$0x1] =	stream.indirect.gather [hbm4b:s2+s22], $0x80, s22, s22, $0xb8;
	[tilespmem:$0x18100] =	vst v63  }
0xe: {  	s9 =	simm.s32 $0x8100;
	s8 =	sadd.s32 $0x186A00, s2  }
0xf: {  	[tilespmem:s9], [sflag:$0x1] =	stream.indirect.gather [hbm4b:s8+s22], $0x80, s5, s22, $0xb8;
	[tilespmem:$0x18100] =	vst v63  }
0x10: {  	s10 =	simm.s32 $0xC100  }
0x11: {  	[tilespmem:s10], [sflag:$0x1] =	stream.indirect.gather [hbm4b:s8+s22], $0x80, s22, s22, $0xb8;
	[tilespmem:$0x18100] =	vst v63  }
0x12: {  	s24 =	simm.s32 $0x10100;
	s2 =	sadd.s32 $0x30D400, s2  }
0x13: {  	[tilespmem:s24], [sflag:$0x1] =	stream.indirect.gather [hbm4b:s2+s22], $0x80, s5, s22, $0xb8;
	[tilespmem:$0x18100] =	vst v63  }
0x14: {  	s11 =	simm.s32 $0x14100;
	s25 =	simm.s32 $0x1  }
0x15: {  	[tilespmem:s11], [sflag:$0x1] =	stream.indirect.gather [hbm4b:s2+s22], $0x80, s22, s22, $0xb8;
	[tilespmem:$0x18100] =	vst v63  }
0x16: {  	_ =	swait.ge [sflag:s25], $0x4000  }
0x17: {  	s26 =	sshll.u32 s1, $0xC;
	[sflag:s25] =	ssyncset.done $0x0  }
0x18: {  	s3 =	sadd.s32 s4, s26;
	[sflag:s25] =	ssyncadd.s32 $0xFFFFC000  }
0x19: {  	[hbm4b:s3+s5] =	stream.linear.scatter [tilespmem:s23], [sflag:$0x2], $0x4000, $0x38;
	[tilespmem:$0x18100] =	vst v63  }
0x1a: {  	_ =	swait.ge [sflag:s25], $0x4000  }
0x1b: {  	[sflag:s25] =	ssyncset.done $0x0  }
0x1c: {  	s4 =	sadd.s32 $0x800, s3;
	[sflag:s25] =	ssyncadd.s32 $0xFFFFC000  }
0x1d: {  	[hbm4b:s4+s5] =	stream.linear.scatter [tilespmem:s7], [sflag:$0x2], $0x4000, $0x38;
	[tilespmem:$0x18100] =	vst v63  }
0x1e: {  	_ =	swait.ge [sflag:s25], $0x4000  }
0x1f: {  	[sflag:s25] =	ssyncset.done $0x0  }
0x20: {  	s28 =	sadd.s32 $0x10000, s3;
	[sflag:s25] =	ssyncadd.s32 $0xFFFFC000  }
0x21: {  	[hbm4b:s28+s5] =	stream.linear.scatter [tilespmem:s9], [sflag:$0x2], $0x4000, $0x38;
	[tilespmem:$0x18100] =	vst v63  }
0x22: {  	_ =	swait.ge [sflag:s25], $0x4000  }
0x23: {  	[sflag:s25] =	ssyncset.done $0x0  }
0x24: {  	s29 =	sadd.s32 $0x10800, s3;
	[sflag:s25] =	ssyncadd.s32 $0xFFFFC000  }
0x25: {  	[hbm4b:s29+s5] =	stream.linear.scatter [tilespmem:s10], [sflag:$0x2], $0x4000, $0x38;
	[tilespmem:$0x18100] =	vst v63  }
0x26: {  	_ =	swait.ge [sflag:s25], $0x4000  }
0x27: {  	[sflag:s25] =	ssyncset.done $0x0  }
0x28: {  	s30 =	sadd.s32 $0x20000, s3;
	[sflag:s25] =	ssyncadd.s32 $0xFFFFC000  }
0x29: {  	[hbm4b:s30+s5] =	stream.linear.scatter [tilespmem:s24], [sflag:$0x2], $0x4000, $0x38;
	[tilespmem:$0x18100] =	vst v63  }
0x2a: {  	_ =	swait.ge [sflag:s25], $0x4000  }
0x2b: {  	[sflag:s25] =	ssyncset.done $0x0  }
0x2c: {  	s31 =	simm.s32 $0x2;
	s3 =	sadd.s32 $0x20800, s3;
	[sflag:s25] =	ssyncadd.s32 $0xFFFFC000  }
0x2d: {  	[hbm4b:s3+s5] =	stream.linear.scatter [tilespmem:s11], [sflag:$0x2], $0x4000, $0x38;
	[tilespmem:$0x18100] =	vst v63  }
0x2e: {  	_ =	swait.ge [sflag:s31], $0x4000  }
0x2f: {  	[sflag:s31] =	ssyncset.done $0x0  }
0x30: {  	[sflag:s31] =	ssyncadd.s32 $0xFFFFC000  }
0x31: {  	_ =	swait.ge [sflag:s31], $0x4000  }
0x32: {  	[sflag:s31] =	ssyncset.done $0x0  }
0x33: {  	[sflag:s31] =	ssyncadd.s32 $0xFFFFC000  }
0x34: {  	_ =	swait.ge [sflag:s31], $0x4000  }
0x35: {  	[sflag:s31] =	ssyncset.done $0x0  }
0x36: {  	[sflag:s31] =	ssyncadd.s32 $0xFFFFC000  }
0x37: {  	_ =	swait.ge [sflag:s31], $0x4000  }
0x38: {  	[sflag:s31] =	ssyncset.done $0x0  }
0x39: {  	[sflag:s31] =	ssyncadd.s32 $0xFFFFC000  }
0x3a: {  	_ =	swait.ge [sflag:s31], $0x4000  }
0x3b: {  	[sflag:s31] =	ssyncset.done $0x0  }
0x3c: {  	[sflag:s31] =	ssyncadd.s32 $0xFFFFC000  }
0x3d: {  	_ =	swait.ge [sflag:s31], $0x4000  }
0x3e: {  	[sflag:s31] =	ssyncset.done $0x0  }
0x3f: {  	[sflag:s31] =	ssyncadd.s32 $0xFFFFC000  }
0x40: {  	_ =	sfence.sel $0x180000  }
0x41: {  	[bflag:$0x0] =	sbarrier.arrive $0xFFFF  }
0x42: {  	p0 =	sne.s32 s1, $0x0;
	_ =	strace $0x90000047  }
0x43: {  	s0 =	sadd.s32 @!p0 $0x100000, s0;
	[bflag:$0x2] =	sbarrier.arrive $0xFFFF  }
0x44: {  	[sflag:s0] =	ssyncadd.tile.s32 @!p0 $0x1;
	_ =	shalt  }
.Lfunc_end2:
_tile_overlayer_lowered:
.L_overlay_start_2:
0x45: {  	(tag) =	ssettag $0x2  }
0x46: {  	s0 =	rddreg [dreg:$0x0];
	s2 =	stileid.u32  }
0x47: {  	s1 =	rddreg [dreg:$0x1];
	p0 =	sne.s32 s2, $0x0  }
0x48: {  	s3 =	rddreg [dreg:$0x2];
	[bflag:$0x3] =	sbarrier.arrive $0xFFFF;
	s2 =	simm.s32 @!p0 $0x1C03  }
0x49: {  	[timem:s3], [sflag:s2] =	dma.local @!p0 [hbm:s0], s1  }
0x4a: {  	s0 =	simm.s32 @!p0 $0x3  }
0x4b: {  	_ =	swait.ge @!p0 [sflag:s0], s1  }
0x4c: {  	s1 =	ssub.s32 @!p0 $0x0, s1;
	[sflag:s0] =	ssyncset.done @!p0 $0x0  }
0x4d: {  	[sflag:s0] =	ssyncadd.s32 @!p0 s1  }
0x4e: {  	[bflag:$0x3] =	sbarrier.arrive $0xFFFF  }
0x4f: {  	_ =	shalt  }

</sc_bundles>
